<compile_context>
chip_gen: v7x
topology: tpu7x:2x2x1
jax: 0.10.2.dev20260603
libtpu: 0.0.44.dev20260713+nightly
codegen_flags: <defaults>
</compile_context>

<pallas_src>
import functools

import jax
import jax.numpy as jnp
from jax import lax
from jax.experimental import pallas as pl
from jax.experimental.pallas import tpu as pltpu
from jax.experimental.pallas import tpu_sc as plsc

NUM_EMB = 100000
D = 128
B_TOK, S = 4096, 200
B = B_TOK * S
B_SC = B
NC, NS = 2, 16
NW = NC * NS
BPW = B_SC // NW
C = 128
NCHUNK = BPW // C
GPB = 1
NGRP = NCHUNK // GPB
NBUF = 2
K = 2

_HEAD = NBUF
_STEADY = (NGRP - 2 * NBUF) // NBUF
_TAIL_START = _HEAD + NBUF * _STEADY

_mesh = plsc.VectorSubcoreMesh(core_axis_name="c", subcore_axis_name="s")


@functools.partial(
    pl.kernel,
    mesh=_mesh,
    out_type=jax.ShapeDtypeStruct((B_SC, D), jnp.float32),
    scratch_types=[
        pltpu.VMEM((NCHUNK, C), jnp.int32),
        pltpu.VMEM((NBUF, GPB * C, D), jnp.float32),
    ] + [pltpu.SemaphoreType.DMA] * (2 * NBUF),
)
def _emb_lookup(idx_hbm, tab_hbm, out_hbm, idx_v, rows_v, *sems):
    wid = lax.axis_index("s") * NC + lax.axis_index("c")
    base = wid * BPW
    gsem = sems[:NBUF]
    wsem = sems[NBUF:]
    pltpu.sync_copy(idx_hbm.at[wid], idx_v)

    def issue_g(g, b):
        for s in range(GPB):
            pltpu.async_copy(
                tab_hbm.at[idx_v.at[g * GPB + s]],
                rows_v.at[b, pl.ds(s * C, C)],
                gsem[b],
            )

    def drain_g(g, b):
        for s in range(GPB):
            pltpu.make_async_copy(
                tab_hbm.at[idx_v.at[g * GPB + s]],
                rows_v.at[b, pl.ds(s * C, C)],
                gsem[b],
            ).wait()

    def issue_w(g, b):
        pltpu.async_copy(
            rows_v.at[b], out_hbm.at[pl.ds(base + g * GPB * C, GPB * C)], wsem[b]
        )

    def wait_w(g, b):
        pltpu.make_async_copy(
            rows_v.at[b], out_hbm.at[pl.ds(base + g * GPB * C, GPB * C)], wsem[b]
        ).wait()

    for g in range(K):
        issue_g(g, g % NBUF)

    def group_step(g, b):
        b2 = (b + K) % NBUF
        drain_g(g, b)
        issue_w(g, b)
        wait_w(g + K - NBUF, b2)
        issue_g(g + K, b2)

    for g in range(_HEAD):
        b = g % NBUF
        drain_g(g, b)
        issue_w(g, b)
        if g + K - NBUF >= 0:
            wait_w(g + K - NBUF, (g + K) % NBUF)
        issue_g(g + K, (g + K) % NBUF)

    def body(jj, carry):
        for bb in range(NBUF):
            g = _HEAD + NBUF * jj + bb
            group_step(g, (_HEAD + bb) % NBUF)
        return carry

    lax.fori_loop(0, _STEADY, body, 0)

    for g in range(_TAIL_START, NGRP):
        b = g % NBUF
        drain_g(g, b)
        issue_w(g, b)
        if g + K < NGRP:
            wait_w(g + K - NBUF, (g + K) % NBUF)
            issue_g(g + K, (g + K) % NBUF)

    for g in range(NGRP - NBUF, NGRP):
        wait_w(g, g % NBUF)


def kernel(token_ids, embeddings):
    idx = token_ids.astype(jnp.int32).reshape(NW, NCHUNK, C)
    out = _emb_lookup(idx, embeddings)
    return out.reshape(B_TOK, S, D)

# --- scband reference (transcript-rebuilt; emitter-appended) ---
"""Pipeline reference for scband-embedding-16621523435730 (READ-ONLY COPY).

The authoritative reference and input builder live on the scoring server;
editing this copy changes nothing except your own understanding.
"""

import jax, jax.numpy as jnp
import numpy as np

NUM_EMBEDDINGS = 100000
EMBEDDING_DIM = 128

def setup_inputs(seed: int = 0) -> dict:
    key = jax.random.key(seed)
    k_idx, k_emb = jax.random.split(key)
    token_ids = jax.random.randint(k_idx, (4096, 200), 0, NUM_EMBEDDINGS, dtype=jnp.int64 if jax.config.jax_enable_x64 else jnp.int32)
    # trunc_normal_(mean=0, std=1, a=-3, b=3)
    embeddings = jax.random.truncated_normal(k_emb, -3.0, 3.0, (NUM_EMBEDDINGS, EMBEDDING_DIM), dtype=jnp.float32)
    return {"token_ids": token_ids, "embeddings": embeddings}

def reference(token_ids, embeddings):
    # Embedding.forward: self.embeddings[token_ids]
    return jnp.take(embeddings, token_ids, axis=0)

if __name__ == "__main__":
    import jax
    _d = setup_inputs()
    print(jax.jit(kernel)(*tuple(_d.values())))

</pallas_src>

<mosaic_0001>
#map = affine_map<(d0, d1) -> (0, 0, 0)>
#map1 = affine_map<(d0, d1) -> (0, 0)>
module attributes {stable_mosaic.version = 14 : i64} {
  func.func @_emb_lookup(%arg0: i32, %arg1: i32, %arg2: memref<32x200x128xi32, #tpu.memory_space<hbm>>, %arg3: memref<100000x128xf32, #tpu.memory_space<hbm>>, %arg4: memref<819200x128xf32, #tpu.memory_space<hbm>>, %arg5: memref<200x128xi32, #tpu.memory_space<vmem>>, %arg6: memref<2x128x128xf32, #tpu.memory_space<vmem>>, %arg7: memref<!tpu.dma_semaphore, #tpu.memory_space<semaphore_mem>>, %arg8: memref<!tpu.dma_semaphore, #tpu.memory_space<semaphore_mem>>, %arg9: memref<!tpu.dma_semaphore, #tpu.memory_space<semaphore_mem>>, %arg10: memref<!tpu.dma_semaphore, #tpu.memory_space<semaphore_mem>>) attributes {dimension_semantics = [#tpu.dimension_semantics<core_parallel>, #tpu.dimension_semantics<subcore_parallel>], iteration_bounds = array<i64: 2, 16>, scalar_prefetch = 0 : i64, scratch_operands = 6 : i64, tpu.core_type = #tpu.core_type<sc_vector_subcore>, window_params = [{transform_indices = #map}, {transform_indices = #map1}, {transform_indices = #map1}]} {
    %mul3A = arith.constant 2 : i32
    %mul3A_0 = arith.muli %arg1, %mul3A : i32
    %add3A = arith.addi %mul3A_0, %arg0 : i32
    %mul3A_1 = arith.constant 25600 : i32
    %mul3A_2 = arith.muli %add3A, %mul3A_1 : i32
    "tpu.region"() ({
      %run_scoped3A = tpu.sem_alloc : memref<!tpu.dma_semaphore, #tpu.memory_space<semaphore_mem>>
      %dma_start3A_222 = arith.constant 0 : i32
      %dma_start3A_223 = arith.constant 0 : i32
      %dma_start3A_224 = tpu.memref_slice %arg2[%add3A, %dma_start3A_222, %dma_start3A_223] : memref<32x200x128xi32, #tpu.memory_space<hbm>> -> memref<1x200x128xi32, #tpu.memory_space<hbm>>
      %dma_start3A_225 = tpu.memref_squeeze %dma_start3A_224 : memref<1x200x128xi32, #tpu.memory_space<hbm>> -> memref<200x128xi32, #tpu.memory_space<hbm>>
      %dma_start3A_226 = arith.constant 0 : i32
      %dma_start3A_227 = arith.constant 0 : i32
      %dma_start3A_228 = tpu.memref_slice %arg2[%add3A, %dma_start3A_226, %dma_start3A_227] : memref<32x200x128xi32, #tpu.memory_space<hbm>> -> memref<1x200x128xi32, #tpu.memory_space<hbm>>
      %dma_start3A_229 = tpu.memref_squeeze %dma_start3A_228 : memref<1x200x128xi32, #tpu.memory_space<hbm>> -> memref<200x128xi32, #tpu.memory_space<hbm>>
      tpu.enqueue_dma source(%dma_start3A_229 : memref<200x128xi32, #tpu.memory_space<hbm>>) target(%arg5 : memref<200x128xi32, #tpu.memory_space<vmem>>) target_semaphore(%run_scoped3A : memref<!tpu.dma_semaphore, #tpu.memory_space<semaphore_mem>>)
      %dma_wait3A_230 = arith.constant 0 : i32
      %dma_wait3A_231 = arith.constant 0 : i32
      %dma_wait3A_232 = tpu.memref_slice %arg2[%add3A, %dma_wait3A_230, %dma_wait3A_231] : memref<32x200x128xi32, #tpu.memory_space<hbm>> -> memref<1x200x128xi32, #tpu.memory_space<hbm>>
      %dma_wait3A_233 = tpu.memref_squeeze %dma_wait3A_232 : memref<1x200x128xi32, #tpu.memory_space<hbm>> -> memref<200x128xi32, #tpu.memory_space<hbm>>
      %dma_wait3A_234 = arith.constant 0 : i32
      %dma_wait3A_235 = arith.constant 0 : i32
      %dma_wait3A_236 = tpu.memref_slice %arg2[%add3A, %dma_wait3A_234, %dma_wait3A_235] : memref<32x200x128xi32, #tpu.memory_space<hbm>> -> memref<1x200x128xi32, #tpu.memory_space<hbm>>
      %dma_wait3A_237 = tpu.memref_squeeze %dma_wait3A_236 : memref<1x200x128xi32, #tpu.memory_space<hbm>> -> memref<200x128xi32, #tpu.memory_space<hbm>>
      tpu.wait_dma2 semaphore(%run_scoped3A : memref<!tpu.dma_semaphore, #tpu.memory_space<semaphore_mem>>) src(%dma_wait3A_237 : memref<200x128xi32, #tpu.memory_space<hbm>>) dst(%arg5 : memref<200x128xi32, #tpu.memory_space<vmem>>)
      tpu.yield
    }) : () -> ()
    %dma_start3A = arith.constant 0 : i32
    %dma_start3A_3 = arith.constant 0 : i32
    %dma_start3A_4 = arith.constant 0 : i32
    %dma_start3A_5 = arith.constant 0 : i32
    %dma_start3A_6 = tpu.memref_slice %arg6[%dma_start3A_3, %dma_start3A_4, %dma_start3A_5] : memref<2x128x128xf32, #tpu.memory_space<vmem>> -> memref<1x128x128xf32, #tpu.memory_space<vmem>>
    %dma_start3A_7 = tpu.memref_squeeze %dma_start3A_6 : memref<1x128x128xf32, #tpu.memory_space<vmem>> -> memref<128x128xf32, #tpu.memory_space<vmem>>
    %dma_start3A_8 = arith.constant 0 : i32
    %dma_start3A_9 = tpu.memref_slice %arg5[%dma_start3A, %dma_start3A_8] : memref<200x128xi32, #tpu.memory_space<vmem>> -> memref<1x128xi32, #tpu.memory_space<vmem>>
    %dma_start3A_10 = tpu.memref_squeeze %dma_start3A_9 : memref<1x128xi32, #tpu.memory_space<vmem>> -> memref<128xi32, #tpu.memory_space<vmem>>
    %dma_start3A_11 = arith.constant 0 : i32
    %dma_start3A_12 = arith.constant 0 : i32
    %dma_start3A_13 = tpu.memref_slice %arg3[%dma_start3A_11, %dma_start3A_12] : memref<100000x128xf32, #tpu.memory_space<hbm>> -> memref<100000x128xf32, #tpu.memory_space<hbm>>
    tpu.enqueue_indirect_dma source(%dma_start3A_13 : memref<100000x128xf32, #tpu.memory_space<hbm>>) target(%dma_start3A_7 : memref<128x128xf32, #tpu.memory_space<vmem>>) offsets(%dma_start3A_10 : memref<128xi32, #tpu.memory_space<vmem>>) semaphore(%arg7 : memref<!tpu.dma_semaphore, #tpu.memory_space<semaphore_mem>>)
    %dma_start3A_14 = arith.constant 1 : i32
    %dma_start3A_15 = arith.constant 1 : i32
    %dma_start3A_16 = arith.constant 0 : i32
    %dma_start3A_17 = arith.constant 0 : i32
    %dma_start3A_18 = tpu.memref_slice %arg6[%dma_start3A_15, %dma_start3A_16, %dma_start3A_17] : memref<2x128x128xf32, #tpu.memory_space<vmem>> -> memref<1x128x128xf32, #tpu.memory_space<vmem>>
    %dma_start3A_19 = tpu.memref_squeeze %dma_start3A_18 : memref<1x128x128xf32, #tpu.memory_space<vmem>> -> memref<128x128xf32, #tpu.memory_space<vmem>>
    %dma_start3A_20 = arith.constant 0 : i32
    %dma_start3A_21 = tpu.memref_slice %arg5[%dma_start3A_14, %dma_start3A_20] : memref<200x128xi32, #tpu.memory_space<vmem>> -> memref<1x128xi32, #tpu.memory_space<vmem>>
    %dma_start3A_22 = tpu.memref_squeeze %dma_start3A_21 : memref<1x128xi32, #tpu.memory_space<vmem>> -> memref<128xi32, #tpu.memory_space<vmem>>
    %dma_start3A_23 = arith.constant 0 : i32
    %dma_start3A_24 = arith.constant 0 : i32
    %dma_start3A_25 = tpu.memref_slice %arg3[%dma_start3A_23, %dma_start3A_24] : memref<100000x128xf32, #tpu.memory_space<hbm>> -> memref<100000x128xf32, #tpu.memory_space<hbm>>
    tpu.enqueue_indirect_dma source(%dma_start3A_25 : memref<100000x128xf32, #tpu.memory_space<hbm>>) target(%dma_start3A_19 : memref<128x128xf32, #tpu.memory_space<vmem>>) offsets(%dma_start3A_22 : memref<128xi32, #tpu.memory_space<vmem>>) semaphore(%arg8 : memref<!tpu.dma_semaphore, #tpu.memory_space<semaphore_mem>>)
    %dma_wait3A = arith.constant 0 : i32
    %dma_wait3A_26 = arith.constant 0 : i32
    %dma_wait3A_27 = arith.constant 0 : i32
    %dma_wait3A_28 = arith.constant 0 : i32
    %dma_wait3A_29 = tpu.memref_slice %arg6[%dma_wait3A_26, %dma_wait3A_27, %dma_wait3A_28] : memref<2x128x128xf32, #tpu.memory_space<vmem>> -> memref<1x128x128xf32, #tpu.memory_space<vmem>>
    %dma_wait3A_30 = tpu.memref_squeeze %dma_wait3A_29 : memref<1x128x128xf32, #tpu.memory_space<vmem>> -> memref<128x128xf32, #tpu.memory_space<vmem>>
    %dma_wait3A_31 = arith.constant 0 : i32
    %dma_wait3A_32 = tpu.memref_slice %arg5[%dma_wait3A, %dma_wait3A_31] : memref<200x128xi32, #tpu.memory_space<vmem>> -> memref<1x128xi32, #tpu.memory_space<vmem>>
    %dma_wait3A_33 = tpu.memref_squeeze %dma_wait3A_32 : memref<1x128xi32, #tpu.memory_space<vmem>> -> memref<128xi32, #tpu.memory_space<vmem>>
    %dma_wait3A_34 = arith.constant 0 : i32
    %dma_wait3A_35 = arith.constant 0 : i32
    %dma_wait3A_36 = tpu.memref_slice %arg3[%dma_wait3A_34, %dma_wait3A_35] : memref<100000x128xf32, #tpu.memory_space<hbm>> -> memref<100000x128xf32, #tpu.memory_space<hbm>>
    tpu.wait_indirect_dma semaphore(%arg7 : memref<!tpu.dma_semaphore, #tpu.memory_space<semaphore_mem>>) src(%dma_wait3A_36 : memref<100000x128xf32, #tpu.memory_space<hbm>>) dst(%dma_wait3A_30 : memref<128x128xf32, #tpu.memory_space<vmem>>)
    %add3A_37 = arith.constant 0 : i32
    %add3A_38 = arith.addi %mul3A_2, %add3A_37 : i32
    %dma_start3A_39 = arith.constant 0 : i32
    %dma_start3A_40 = arith.constant 0 : i32
    %dma_start3A_41 = arith.constant 0 : i32
    %dma_start3A_42 = tpu.memref_slice %arg6[%dma_start3A_39, %dma_start3A_40, %dma_start3A_41] : memref<2x128x128xf32, #tpu.memory_space<vmem>> -> memref<1x128x128xf32, #tpu.memory_space<vmem>>
    %dma_start3A_43 = tpu.memref_squeeze %dma_start3A_42 : memref<1x128x128xf32, #tpu.memory_space<vmem>> -> memref<128x128xf32, #tpu.memory_space<vmem>>
    %dma_start3A_44 = arith.constant 0 : i32
    %dma_start3A_45 = tpu.memref_slice %arg4[%add3A_38, %dma_start3A_44] : memref<819200x128xf32, #tpu.memory_space<hbm>> -> memref<128x128xf32, #tpu.memory_space<hbm>>
    %dma_start3A_46 = arith.constant 0 : i32
    %dma_start3A_47 = tpu.memref_slice %arg4[%add3A_38, %dma_start3A_46] : memref<819200x128xf32, #tpu.memory_space<hbm>> -> memref<128x128xf32, #tpu.memory_space<hbm>>
    %dma_start3A_48 = arith.constant 0 : i32
    %dma_start3A_49 = arith.constant 0 : i32
    %dma_start3A_50 = tpu.memref_slice %arg6[%dma_start3A_39, %dma_start3A_48, %dma_start3A_49] : memref<2x128x128xf32, #tpu.memory_space<vmem>> -> memref<1x128x128xf32, #tpu.memory_space<vmem>>
    %dma_start3A_51 = tpu.memref_squeeze %dma_start3A_50 : memref<1x128x128xf32, #tpu.memory_space<vmem>> -> memref<128x128xf32, #tpu.memory_space<vmem>>
    tpu.enqueue_dma source(%dma_start3A_51 : memref<128x128xf32, #tpu.memory_space<vmem>>) target(%dma_start3A_47 : memref<128x128xf32, #tpu.memory_space<hbm>>) target_semaphore(%arg9 : memref<!tpu.dma_semaphore, #tpu.memory_space<semaphore_mem>>)
    %add3A_52 = arith.constant 0 : i32
    %add3A_53 = arith.addi %mul3A_2, %add3A_52 : i32
    %dma_wait3A_54 = arith.constant 0 : i32
    %dma_wait3A_55 = arith.constant 0 : i32
    %dma_wait3A_56 = arith.constant 0 : i32
    %dma_wait3A_57 = tpu.memref_slice %arg6[%dma_wait3A_54, %dma_wait3A_55, %dma_wait3A_56] : memref<2x128x128xf32, #tpu.memory_space<vmem>> -> memref<1x128x128xf32, #tpu.memory_space<vmem>>
    %dma_wait3A_58 = tpu.memref_squeeze %dma_wait3A_57 : memref<1x128x128xf32, #tpu.memory_space<vmem>> -> memref<128x128xf32, #tpu.memory_space<vmem>>
    %dma_wait3A_59 = arith.constant 0 : i32
    %dma_wait3A_60 = tpu.memref_slice %arg4[%add3A_53, %dma_wait3A_59] : memref<819200x128xf32, #tpu.memory_space<hbm>> -> memref<128x128xf32, #tpu.memory_space<hbm>>
    %dma_wait3A_61 = arith.constant 0 : i32
    %dma_wait3A_62 = tpu.memref_slice %arg4[%add3A_53, %dma_wait3A_61] : memref<819200x128xf32, #tpu.memory_space<hbm>> -> memref<128x128xf32, #tpu.memory_space<hbm>>
    %dma_wait3A_63 = arith.constant 0 : i32
    %dma_wait3A_64 = arith.constant 0 : i32
    %dma_wait3A_65 = tpu.memref_slice %arg6[%dma_wait3A_54, %dma_wait3A_63, %dma_wait3A_64] : memref<2x128x128xf32, #tpu.memory_space<vmem>> -> memref<1x128x128xf32, #tpu.memory_space<vmem>>
    %dma_wait3A_66 = tpu.memref_squeeze %dma_wait3A_65 : memref<1x128x128xf32, #tpu.memory_space<vmem>> -> memref<128x128xf32, #tpu.memory_space<vmem>>
    tpu.wait_dma2 semaphore(%arg9 : memref<!tpu.dma_semaphore, #tpu.memory_space<semaphore_mem>>) src(%dma_wait3A_66 : memref<128x128xf32, #tpu.memory_space<vmem>>) dst(%dma_wait3A_62 : memref<128x128xf32, #tpu.memory_space<hbm>>)
    %dma_start3A_67 = arith.constant 2 : i32
    %dma_start3A_68 = arith.constant 0 : i32
    %dma_start3A_69 = arith.constant 0 : i32
    %dma_start3A_70 = arith.constant 0 : i32
    %dma_start3A_71 = tpu.memref_slice %arg6[%dma_start3A_68, %dma_start3A_69, %dma_start3A_70] : memref<2x128x128xf32, #tpu.memory_space<vmem>> -> memref<1x128x128xf32, #tpu.memory_space<vmem>>
    %dma_start3A_72 = tpu.memref_squeeze %dma_start3A_71 : memref<1x128x128xf32, #tpu.memory_space<vmem>> -> memref<128x128xf32, #tpu.memory_space<vmem>>
    %dma_start3A_73 = arith.constant 0 : i32
    %dma_start3A_74 = tpu.memref_slice %arg5[%dma_start3A_67, %dma_start3A_73] : memref<200x128xi32, #tpu.memory_space<vmem>> -> memref<1x128xi32, #tpu.memory_space<vmem>>
    %dma_start3A_75 = tpu.memref_squeeze %dma_start3A_74 : memref<1x128xi32, #tpu.memory_space<vmem>> -> memref<128xi32, #tpu.memory_space<vmem>>
    %dma_start3A_76 = arith.constant 0 : i32
    %dma_start3A_77 = arith.constant 0 : i32
    %dma_start3A_78 = tpu.memref_slice %arg3[%dma_start3A_76, %dma_start3A_77] : memref<100000x128xf32, #tpu.memory_space<hbm>> -> memref<100000x128xf32, #tpu.memory_space<hbm>>
    tpu.enqueue_indirect_dma source(%dma_start3A_78 : memref<100000x128xf32, #tpu.memory_space<hbm>>) target(%dma_start3A_72 : memref<128x128xf32, #tpu.memory_space<vmem>>) offsets(%dma_start3A_75 : memref<128xi32, #tpu.memory_space<vmem>>) semaphore(%arg7 : memref<!tpu.dma_semaphore, #tpu.memory_space<semaphore_mem>>)
    %dma_wait3A_79 = arith.constant 1 : i32
    %dma_wait3A_80 = arith.constant 1 : i32
    %dma_wait3A_81 = arith.constant 0 : i32
    %dma_wait3A_82 = arith.constant 0 : i32
    %dma_wait3A_83 = tpu.memref_slice %arg6[%dma_wait3A_80, %dma_wait3A_81, %dma_wait3A_82] : memref<2x128x128xf32, #tpu.memory_space<vmem>> -> memref<1x128x128xf32, #tpu.memory_space<vmem>>
    %dma_wait3A_84 = tpu.memref_squeeze %dma_wait3A_83 : memref<1x128x128xf32, #tpu.memory_space<vmem>> -> memref<128x128xf32, #tpu.memory_space<vmem>>
    %dma_wait3A_85 = arith.constant 0 : i32
    %dma_wait3A_86 = tpu.memref_slice %arg5[%dma_wait3A_79, %dma_wait3A_85] : memref<200x128xi32, #tpu.memory_space<vmem>> -> memref<1x128xi32, #tpu.memory_space<vmem>>
    %dma_wait3A_87 = tpu.memref_squeeze %dma_wait3A_86 : memref<1x128xi32, #tpu.memory_space<vmem>> -> memref<128xi32, #tpu.memory_space<vmem>>
    %dma_wait3A_88 = arith.constant 0 : i32
    %dma_wait3A_89 = arith.constant 0 : i32
    %dma_wait3A_90 = tpu.memref_slice %arg3[%dma_wait3A_88, %dma_wait3A_89] : memref<100000x128xf32, #tpu.memory_space<hbm>> -> memref<100000x128xf32, #tpu.memory_space<hbm>>
    tpu.wait_indirect_dma semaphore(%arg8 : memref<!tpu.dma_semaphore, #tpu.memory_space<semaphore_mem>>) src(%dma_wait3A_90 : memref<100000x128xf32, #tpu.memory_space<hbm>>) dst(%dma_wait3A_84 : memref<128x128xf32, #tpu.memory_space<vmem>>)
    %add3A_91 = arith.constant 128 : i32
    %add3A_92 = arith.addi %mul3A_2, %add3A_91 : i32
    %dma_start3A_93 = arith.constant 1 : i32
    %dma_start3A_94 = arith.constant 0 : i32
    %dma_start3A_95 = arith.constant 0 : i32
    %dma_start3A_96 = tpu.memref_slice %arg6[%dma_start3A_93, %dma_start3A_94, %dma_start3A_95] : memref<2x128x128xf32, #tpu.memory_space<vmem>> -> memref<1x128x128xf32, #tpu.memory_space<vmem>>
    %dma_start3A_97 = tpu.memref_squeeze %dma_start3A_96 : memref<1x128x128xf32, #tpu.memory_space<vmem>> -> memref<128x128xf32, #tpu.memory_space<vmem>>
    %dma_start3A_98 = arith.constant 0 : i32
    %dma_start3A_99 = tpu.memref_slice %arg4[%add3A_92, %dma_start3A_98] : memref<819200x128xf32, #tpu.memory_space<hbm>> -> memref<128x128xf32, #tpu.memory_space<hbm>>
    %dma_start3A_100 = arith.constant 0 : i32
    %dma_start3A_101 = tpu.memref_slice %arg4[%add3A_92, %dma_start3A_100] : memref<819200x128xf32, #tpu.memory_space<hbm>> -> memref<128x128xf32, #tpu.memory_space<hbm>>
    %dma_start3A_102 = arith.constant 0 : i32
    %dma_start3A_103 = arith.constant 0 : i32
    %dma_start3A_104 = tpu.memref_slice %arg6[%dma_start3A_93, %dma_start3A_102, %dma_start3A_103] : memref<2x128x128xf32, #tpu.memory_space<vmem>> -> memref<1x128x128xf32, #tpu.memory_space<vmem>>
    %dma_start3A_105 = tpu.memref_squeeze %dma_start3A_104 : memref<1x128x128xf32, #tpu.memory_space<vmem>> -> memref<128x128xf32, #tpu.memory_space<vmem>>
    tpu.enqueue_dma source(%dma_start3A_105 : memref<128x128xf32, #tpu.memory_space<vmem>>) target(%dma_start3A_101 : memref<128x128xf32, #tpu.memory_space<hbm>>) target_semaphore(%arg10 : memref<!tpu.dma_semaphore, #tpu.memory_space<semaphore_mem>>)
    %add3A_106 = arith.constant 128 : i32
    %add3A_107 = arith.addi %mul3A_2, %add3A_106 : i32
    %dma_wait3A_108 = arith.constant 1 : i32
    %dma_wait3A_109 = arith.constant 0 : i32
    %dma_wait3A_110 = arith.constant 0 : i32
    %dma_wait3A_111 = tpu.memref_slice %arg6[%dma_wait3A_108, %dma_wait3A_109, %dma_wait3A_110] : memref<2x128x128xf32, #tpu.memory_space<vmem>> -> memref<1x128x128xf32, #tpu.memory_space<vmem>>
    %dma_wait3A_112 = tpu.memref_squeeze %dma_wait3A_111 : memref<1x128x128xf32, #tpu.memory_space<vmem>> -> memref<128x128xf32, #tpu.memory_space<vmem>>
    %dma_wait3A_113 = arith.constant 0 : i32
    %dma_wait3A_114 = tpu.memref_slice %arg4[%add3A_107, %dma_wait3A_113] : memref<819200x128xf32, #tpu.memory_space<hbm>> -> memref<128x128xf32, #tpu.memory_space<hbm>>
    %dma_wait3A_115 = arith.constant 0 : i32
    %dma_wait3A_116 = tpu.memref_slice %arg4[%add3A_107, %dma_wait3A_115] : memref<819200x128xf32, #tpu.memory_space<hbm>> -> memref<128x128xf32, #tpu.memory_space<hbm>>
    %dma_wait3A_117 = arith.constant 0 : i32
    %dma_wait3A_118 = arith.constant 0 : i32
    %dma_wait3A_119 = tpu.memref_slice %arg6[%dma_wait3A_108, %dma_wait3A_117, %dma_wait3A_118] : memref<2x128x128xf32, #tpu.memory_space<vmem>> -> memref<1x128x128xf32, #tpu.memory_space<vmem>>
    %dma_wait3A_120 = tpu.memref_squeeze %dma_wait3A_119 : memref<1x128x128xf32, #tpu.memory_space<vmem>> -> memref<128x128xf32, #tpu.memory_space<vmem>>
    tpu.wait_dma2 semaphore(%arg10 : memref<!tpu.dma_semaphore, #tpu.memory_space<semaphore_mem>>) src(%dma_wait3A_120 : memref<128x128xf32, #tpu.memory_space<vmem>>) dst(%dma_wait3A_116 : memref<128x128xf32, #tpu.memory_space<hbm>>)
    %dma_start3A_121 = arith.constant 3 : i32
    %dma_start3A_122 = arith.constant 1 : i32
    %dma_start3A_123 = arith.constant 0 : i32
    %dma_start3A_124 = arith.constant 0 : i32
    %dma_start3A_125 = tpu.memref_slice %arg6[%dma_start3A_122, %dma_start3A_123, %dma_start3A_124] : memref<2x128x128xf32, #tpu.memory_space<vmem>> -> memref<1x128x128xf32, #tpu.memory_space<vmem>>
    %dma_start3A_126 = tpu.memref_squeeze %dma_start3A_125 : memref<1x128x128xf32, #tpu.memory_space<vmem>> -> memref<128x128xf32, #tpu.memory_space<vmem>>
    %dma_start3A_127 = arith.constant 0 : i32
    %dma_start3A_128 = tpu.memref_slice %arg5[%dma_start3A_121, %dma_start3A_127] : memref<200x128xi32, #tpu.memory_space<vmem>> -> memref<1x128xi32, #tpu.memory_space<vmem>>
    %dma_start3A_129 = tpu.memref_squeeze %dma_start3A_128 : memref<1x128xi32, #tpu.memory_space<vmem>> -> memref<128xi32, #tpu.memory_space<vmem>>
    %dma_start3A_130 = arith.constant 0 : i32
    %dma_start3A_131 = arith.constant 0 : i32
    %dma_start3A_132 = tpu.memref_slice %arg3[%dma_start3A_130, %dma_start3A_131] : memref<100000x128xf32, #tpu.memory_space<hbm>> -> memref<100000x128xf32, #tpu.memory_space<hbm>>
    tpu.enqueue_indirect_dma source(%dma_start3A_132 : memref<100000x128xf32, #tpu.memory_space<hbm>>) target(%dma_start3A_126 : memref<128x128xf32, #tpu.memory_space<vmem>>) offsets(%dma_start3A_129 : memref<128xi32, #tpu.memory_space<vmem>>) semaphore(%arg8 : memref<!tpu.dma_semaphore, #tpu.memory_space<semaphore_mem>>)
    %scan3A = arith.constant 0 : i32
    %scan3A_133 = arith.constant 0 : i32
    %scan3A_134 = arith.constant 98 : i32
    %scan3A_135 = arith.addi %scan3A_133, %scan3A_134 : i32
    %scan3A_136 = arith.constant 1 : i32
    scf.for %scan3A_222 = %scan3A_133 to %scan3A_135 step %scan3A_136  : i32 {
      %mul3A_223 = arith.constant 2 : i32
      %mul3A_224 = arith.muli %mul3A_223, %scan3A_222 : i32
      %add3A_225 = arith.constant 2 : i32
      %add3A_226 = arith.addi %add3A_225, %mul3A_224 : i32
      %add3A_227 = arith.constant 0 : i32
      %add3A_228 = arith.addi %add3A_226, %add3A_227 : i32
      %mul3A_229 = arith.constant 1 : i32
      %mul3A_230 = arith.muli %add3A_228, %mul3A_229 : i32
      %add3A_231 = arith.constant 0 : i32
      %add3A_232 = arith.addi %mul3A_230, %add3A_231 : i32
      %dma_wait3A_233 = arith.constant 0 : i32
      %dma_wait3A_234 = arith.constant 0 : i32
      %dma_wait3A_235 = arith.constant 0 : i32
      %dma_wait3A_236 = tpu.memref_slice %arg6[%dma_wait3A_233, %dma_wait3A_234, %dma_wait3A_235] : memref<2x128x128xf32, #tpu.memory_space<vmem>> -> memref<1x128x128xf32, #tpu.memory_space<vmem>>
      %dma_wait3A_237 = tpu.memref_squeeze %dma_wait3A_236 : memref<1x128x128xf32, #tpu.memory_space<vmem>> -> memref<128x128xf32, #tpu.memory_space<vmem>>
      %dma_wait3A_238 = arith.constant 0 : i32
      %dma_wait3A_239 = tpu.memref_slice %arg5[%add3A_232, %dma_wait3A_238] : memref<200x128xi32, #tpu.memory_space<vmem>> -> memref<1x128xi32, #tpu.memory_space<vmem>>
      %dma_wait3A_240 = tpu.memref_squeeze %dma_wait3A_239 : memref<1x128xi32, #tpu.memory_space<vmem>> -> memref<128xi32, #tpu.memory_space<vmem>>
      %dma_wait3A_241 = arith.constant 0 : i32
      %dma_wait3A_242 = arith.constant 0 : i32
      %dma_wait3A_243 = tpu.memref_slice %arg3[%dma_wait3A_241, %dma_wait3A_242] : memref<100000x128xf32, #tpu.memory_space<hbm>> -> memref<100000x128xf32, #tpu.memory_space<hbm>>
      tpu.wait_indirect_dma semaphore(%arg7 : memref<!tpu.dma_semaphore, #tpu.memory_space<semaphore_mem>>) src(%dma_wait3A_243 : memref<100000x128xf32, #tpu.memory_space<hbm>>) dst(%dma_wait3A_237 : memref<128x128xf32, #tpu.memory_space<vmem>>)
      %mul3A_244 = arith.constant 1 : i32
      %mul3A_245 = arith.muli %add3A_228, %mul3A_244 : i32
      %mul3A_246 = arith.constant 128 : i32
      %mul3A_247 = arith.muli %mul3A_245, %mul3A_246 : i32
      %add3A_248 = arith.addi %mul3A_2, %mul3A_247 : i32
      %dma_start3A_249 = arith.constant 0 : i32
      %dma_start3A_250 = arith.constant 0 : i32
      %dma_start3A_251 = arith.constant 0 : i32
      %dma_start3A_252 = tpu.memref_slice %arg6[%dma_start3A_249, %dma_start3A_250, %dma_start3A_251] : memref<2x128x128xf32, #tpu.memory_space<vmem>> -> memref<1x128x128xf32, #tpu.memory_space<vmem>>
      %dma_start3A_253 = tpu.memref_squeeze %dma_start3A_252 : memref<1x128x128xf32, #tpu.memory_space<vmem>> -> memref<128x128xf32, #tpu.memory_space<vmem>>
      %dma_start3A_254 = arith.constant 0 : i32
      %dma_start3A_255 = tpu.memref_slice %arg4[%add3A_248, %dma_start3A_254] : memref<819200x128xf32, #tpu.memory_space<hbm>> -> memref<128x128xf32, #tpu.memory_space<hbm>>
      %dma_start3A_256 = arith.constant 0 : i32
      %dma_start3A_257 = tpu.memref_slice %arg4[%add3A_248, %dma_start3A_256] : memref<819200x128xf32, #tpu.memory_space<hbm>> -> memref<128x128xf32, #tpu.memory_space<hbm>>
      %dma_start3A_258 = arith.constant 0 : i32
      %dma_start3A_259 = arith.constant 0 : i32
      %dma_start3A_260 = tpu.memref_slice %arg6[%dma_start3A_249, %dma_start3A_258, %dma_start3A_259] : memref<2x128x128xf32, #tpu.memory_space<vmem>> -> memref<1x128x128xf32, #tpu.memory_space<vmem>>
      %dma_start3A_261 = tpu.memref_squeeze %dma_start3A_260 : memref<1x128x128xf32, #tpu.memory_space<vmem>> -> memref<128x128xf32, #tpu.memory_space<vmem>>
      tpu.enqueue_dma source(%dma_start3A_261 : memref<128x128xf32, #tpu.memory_space<vmem>>) target(%dma_start3A_257 : memref<128x128xf32, #tpu.memory_space<hbm>>) target_semaphore(%arg9 : memref<!tpu.dma_semaphore, #tpu.memory_space<semaphore_mem>>)
      %add3A_262 = arith.constant 2 : i32
      %add3A_263 = arith.addi %add3A_228, %add3A_262 : i32
      %sub3A = arith.constant 2 : i32
      %sub3A_264 = arith.subi %add3A_263, %sub3A : i32
      %mul3A_265 = arith.constant 1 : i32
      %mul3A_266 = arith.muli %sub3A_264, %mul3A_265 : i32
      %mul3A_267 = arith.constant 128 : i32
      %mul3A_268 = arith.muli %mul3A_266, %mul3A_267 : i32
      %add3A_269 = arith.addi %mul3A_2, %mul3A_268 : i32
      %dma_wait3A_270 = arith.constant 0 : i32
      %dma_wait3A_271 = arith.constant 0 : i32
      %dma_wait3A_272 = arith.constant 0 : i32
      %dma_wait3A_273 = tpu.memref_slice %arg6[%dma_wait3A_270, %dma_wait3A_271, %dma_wait3A_272] : memref<2x128x128xf32, #tpu.memory_space<vmem>> -> memref<1x128x128xf32, #tpu.memory_space<vmem>>
      %dma_wait3A_274 = tpu.memref_squeeze %dma_wait3A_273 : memref<1x128x128xf32, #tpu.memory_space<vmem>> -> memref<128x128xf32, #tpu.memory_space<vmem>>
      %dma_wait3A_275 = arith.constant 0 : i32
      %dma_wait3A_276 = tpu.memref_slice %arg4[%add3A_269, %dma_wait3A_275] : memref<819200x128xf32, #tpu.memory_space<hbm>> -> memref<128x128xf32, #tpu.memory_space<hbm>>
      %dma_wait3A_277 = arith.constant 0 : i32
      %dma_wait3A_278 = tpu.memref_slice %arg4[%add3A_269, %dma_wait3A_277] : memref<819200x128xf32, #tpu.memory_space<hbm>> -> memref<128x128xf32, #tpu.memory_space<hbm>>
      %dma_wait3A_279 = arith.constant 0 : i32
      %dma_wait3A_280 = arith.constant 0 : i32
      %dma_wait3A_281 = tpu.memref_slice %arg6[%dma_wait3A_270, %dma_wait3A_279, %dma_wait3A_280] : memref<2x128x128xf32, #tpu.memory_space<vmem>> -> memref<1x128x128xf32, #tpu.memory_space<vmem>>
      %dma_wait3A_282 = tpu.memref_squeeze %dma_wait3A_281 : memref<1x128x128xf32, #tpu.memory_space<vmem>> -> memref<128x128xf32, #tpu.memory_space<vmem>>
      tpu.wait_dma2 semaphore(%arg9 : memref<!tpu.dma_semaphore, #tpu.memory_space<semaphore_mem>>) src(%dma_wait3A_282 : memref<128x128xf32, #tpu.memory_space<vmem>>) dst(%dma_wait3A_278 : memref<128x128xf32, #tpu.memory_space<hbm>>)
      %add3A_283 = arith.constant 2 : i32
      %add3A_284 = arith.addi %add3A_228, %add3A_283 : i32
      %mul3A_285 = arith.constant 1 : i32
      %mul3A_286 = arith.muli %add3A_284, %mul3A_285 : i32
      %add3A_287 = arith.constant 0 : i32
      %add3A_288 = arith.addi %mul3A_286, %add3A_287 : i32
      %dma_start3A_289 = arith.constant 0 : i32
      %dma_start3A_290 = arith.constant 0 : i32
      %dma_start3A_291 = arith.constant 0 : i32
      %dma_start3A_292 = tpu.memref_slice %arg6[%dma_start3A_289, %dma_start3A_290, %dma_start3A_291] : memref<2x128x128xf32, #tpu.memory_space<vmem>> -> memref<1x128x128xf32, #tpu.memory_space<vmem>>
      %dma_start3A_293 = tpu.memref_squeeze %dma_start3A_292 : memref<1x128x128xf32, #tpu.memory_space<vmem>> -> memref<128x128xf32, #tpu.memory_space<vmem>>
      %dma_start3A_294 = arith.constant 0 : i32
      %dma_start3A_295 = tpu.memref_slice %arg5[%add3A_288, %dma_start3A_294] : memref<200x128xi32, #tpu.memory_space<vmem>> -> memref<1x128xi32, #tpu.memory_space<vmem>>
      %dma_start3A_296 = tpu.memref_squeeze %dma_start3A_295 : memref<1x128xi32, #tpu.memory_space<vmem>> -> memref<128xi32, #tpu.memory_space<vmem>>
      %dma_start3A_297 = arith.constant 0 : i32
      %dma_start3A_298 = arith.constant 0 : i32
      %dma_start3A_299 = tpu.memref_slice %arg3[%dma_start3A_297, %dma_start3A_298] : memref<100000x128xf32, #tpu.memory_space<hbm>> -> memref<100000x128xf32, #tpu.memory_space<hbm>>
      tpu.enqueue_indirect_dma source(%dma_start3A_299 : memref<100000x128xf32, #tpu.memory_space<hbm>>) target(%dma_start3A_293 : memref<128x128xf32, #tpu.memory_space<vmem>>) offsets(%dma_start3A_296 : memref<128xi32, #tpu.memory_space<vmem>>) semaphore(%arg7 : memref<!tpu.dma_semaphore, #tpu.memory_space<semaphore_mem>>)
      %mul3A_300 = arith.constant 2 : i32
      %mul3A_301 = arith.muli %mul3A_300, %scan3A_222 : i32
      %add3A_302 = arith.constant 2 : i32
      %add3A_303 = arith.addi %add3A_302, %mul3A_301 : i32
      %add3A_304 = arith.constant 1 : i32
      %add3A_305 = arith.addi %add3A_303, %add3A_304 : i32
      %mul3A_306 = arith.constant 1 : i32
      %mul3A_307 = arith.muli %add3A_305, %mul3A_306 : i32
      %add3A_308 = arith.constant 0 : i32
      %add3A_309 = arith.addi %mul3A_307, %add3A_308 : i32
      %dma_wait3A_310 = arith.constant 1 : i32
      %dma_wait3A_311 = arith.constant 0 : i32
      %dma_wait3A_312 = arith.constant 0 : i32
      %dma_wait3A_313 = tpu.memref_slice %arg6[%dma_wait3A_310, %dma_wait3A_311, %dma_wait3A_312] : memref<2x128x128xf32, #tpu.memory_space<vmem>> -> memref<1x128x128xf32, #tpu.memory_space<vmem>>
      %dma_wait3A_314 = tpu.memref_squeeze %dma_wait3A_313 : memref<1x128x128xf32, #tpu.memory_space<vmem>> -> memref<128x128xf32, #tpu.memory_space<vmem>>
      %dma_wait3A_315 = arith.constant 0 : i32
      %dma_wait3A_316 = tpu.memref_slice %arg5[%add3A_309, %dma_wait3A_315] : memref<200x128xi32, #tpu.memory_space<vmem>> -> memref<1x128xi32, #tpu.memory_space<vmem>>
      %dma_wait3A_317 = tpu.memref_squeeze %dma_wait3A_316 : memref<1x128xi32, #tpu.memory_space<vmem>> -> memref<128xi32, #tpu.memory_space<vmem>>
      %dma_wait3A_318 = arith.constant 0 : i32
      %dma_wait3A_319 = arith.constant 0 : i32
      %dma_wait3A_320 = tpu.memref_slice %arg3[%dma_wait3A_318, %dma_wait3A_319] : memref<100000x128xf32, #tpu.memory_space<hbm>> -> memref<100000x128xf32, #tpu.memory_space<hbm>>
      tpu.wait_indirect_dma semaphore(%arg8 : memref<!tpu.dma_semaphore, #tpu.memory_space<semaphore_mem>>) src(%dma_wait3A_320 : memref<100000x128xf32, #tpu.memory_space<hbm>>) dst(%dma_wait3A_314 : memref<128x128xf32, #tpu.memory_space<vmem>>)
      %mul3A_321 = arith.constant 1 : i32
      %mul3A_322 = arith.muli %add3A_305, %mul3A_321 : i32
      %mul3A_323 = arith.constant 128 : i32
      %mul3A_324 = arith.muli %mul3A_322, %mul3A_323 : i32
      %add3A_325 = arith.addi %mul3A_2, %mul3A_324 : i32
      %dma_start3A_326 = arith.constant 1 : i32
      %dma_start3A_327 = arith.constant 0 : i32
      %dma_start3A_328 = arith.constant 0 : i32
      %dma_start3A_329 = tpu.memref_slice %arg6[%dma_start3A_326, %dma_start3A_327, %dma_start3A_328] : memref<2x128x128xf32, #tpu.memory_space<vmem>> -> memref<1x128x128xf32, #tpu.memory_space<vmem>>
      %dma_start3A_330 = tpu.memref_squeeze %dma_start3A_329 : memref<1x128x128xf32, #tpu.memory_space<vmem>> -> memref<128x128xf32, #tpu.memory_space<vmem>>
      %dma_start3A_331 = arith.constant 0 : i32
      %dma_start3A_332 = tpu.memref_slice %arg4[%add3A_325, %dma_start3A_331] : memref<819200x128xf32, #tpu.memory_space<hbm>> -> memref<128x128xf32, #tpu.memory_space<hbm>>
      %dma_start3A_333 = arith.constant 0 : i32
      %dma_start3A_334 = tpu.memref_slice %arg4[%add3A_325, %dma_start3A_333] : memref<819200x128xf32, #tpu.memory_space<hbm>> -> memref<128x128xf32, #tpu.memory_space<hbm>>
      %dma_start3A_335 = arith.constant 0 : i32
      %dma_start3A_336 = arith.constant 0 : i32
      %dma_start3A_337 = tpu.memref_slice %arg6[%dma_start3A_326, %dma_start3A_335, %dma_start3A_336] : memref<2x128x128xf32, #tpu.memory_space<vmem>> -> memref<1x128x128xf32, #tpu.memory_space<vmem>>
      %dma_start3A_338 = tpu.memref_squeeze %dma_start3A_337 : memref<1x128x128xf32, #tpu.memory_space<vmem>> -> memref<128x128xf32, #tpu.memory_space<vmem>>
      tpu.enqueue_dma source(%dma_start3A_338 : memref<128x128xf32, #tpu.memory_space<vmem>>) target(%dma_start3A_334 : memref<128x128xf32, #tpu.memory_space<hbm>>) target_semaphore(%arg10 : memref<!tpu.dma_semaphore, #tpu.memory_space<semaphore_mem>>)
      %add3A_339 = arith.constant 2 : i32
      %add3A_340 = arith.addi %add3A_305, %add3A_339 : i32
      %sub3A_341 = arith.constant 2 : i32
      %sub3A_342 = arith.subi %add3A_340, %sub3A_341 : i32
      %mul3A_343 = arith.constant 1 : i32
      %mul3A_344 = arith.muli %sub3A_342, %mul3A_343 : i32
      %mul3A_345 = arith.constant 128 : i32
      %mul3A_346 = arith.muli %mul3A_344, %mul3A_345 : i32
      %add3A_347 = arith.addi %mul3A_2, %mul3A_346 : i32
      %dma_wait3A_348 = arith.constant 1 : i32
      %dma_wait3A_349 = arith.constant 0 : i32
      %dma_wait3A_350 = arith.constant 0 : i32
      %dma_wait3A_351 = tpu.memref_slice %arg6[%dma_wait3A_348, %dma_wait3A_349, %dma_wait3A_350] : memref<2x128x128xf32, #tpu.memory_space<vmem>> -> memref<1x128x128xf32, #tpu.memory_space<vmem>>
      %dma_wait3A_352 = tpu.memref_squeeze %dma_wait3A_351 : memref<1x128x128xf32, #tpu.memory_space<vmem>> -> memref<128x128xf32, #tpu.memory_space<vmem>>
      %dma_wait3A_353 = arith.constant 0 : i32
      %dma_wait3A_354 = tpu.memref_slice %arg4[%add3A_347, %dma_wait3A_353] : memref<819200x128xf32, #tpu.memory_space<hbm>> -> memref<128x128xf32, #tpu.memory_space<hbm>>
      %dma_wait3A_355 = arith.constant 0 : i32
      %dma_wait3A_356 = tpu.memref_slice %arg4[%add3A_347, %dma_wait3A_355] : memref<819200x128xf32, #tpu.memory_space<hbm>> -> memref<128x128xf32, #tpu.memory_space<hbm>>
      %dma_wait3A_357 = arith.constant 0 : i32
      %dma_wait3A_358 = arith.constant 0 : i32
      %dma_wait3A_359 = tpu.memref_slice %arg6[%dma_wait3A_348, %dma_wait3A_357, %dma_wait3A_358] : memref<2x128x128xf32, #tpu.memory_space<vmem>> -> memref<1x128x128xf32, #tpu.memory_space<vmem>>
      %dma_wait3A_360 = tpu.memref_squeeze %dma_wait3A_359 : memref<1x128x128xf32, #tpu.memory_space<vmem>> -> memref<128x128xf32, #tpu.memory_space<vmem>>
      tpu.wait_dma2 semaphore(%arg10 : memref<!tpu.dma_semaphore, #tpu.memory_space<semaphore_mem>>) src(%dma_wait3A_360 : memref<128x128xf32, #tpu.memory_space<vmem>>) dst(%dma_wait3A_356 : memref<128x128xf32, #tpu.memory_space<hbm>>)
      %add3A_361 = arith.constant 2 : i32
      %add3A_362 = arith.addi %add3A_305, %add3A_361 : i32
      %mul3A_363 = arith.constant 1 : i32
      %mul3A_364 = arith.muli %add3A_362, %mul3A_363 : i32
      %add3A_365 = arith.constant 0 : i32
      %add3A_366 = arith.addi %mul3A_364, %add3A_365 : i32
      %dma_start3A_367 = arith.constant 1 : i32
      %dma_start3A_368 = arith.constant 0 : i32
      %dma_start3A_369 = arith.constant 0 : i32
      %dma_start3A_370 = tpu.memref_slice %arg6[%dma_start3A_367, %dma_start3A_368, %dma_start3A_369] : memref<2x128x128xf32, #tpu.memory_space<vmem>> -> memref<1x128x128xf32, #tpu.memory_space<vmem>>
      %dma_start3A_371 = tpu.memref_squeeze %dma_start3A_370 : memref<1x128x128xf32, #tpu.memory_space<vmem>> -> memref<128x128xf32, #tpu.memory_space<vmem>>
      %dma_start3A_372 = arith.constant 0 : i32
      %dma_start3A_373 = tpu.memref_slice %arg5[%add3A_366, %dma_start3A_372] : memref<200x128xi32, #tpu.memory_space<vmem>> -> memref<1x128xi32, #tpu.memory_space<vmem>>
      %dma_start3A_374 = tpu.memref_squeeze %dma_start3A_373 : memref<1x128xi32, #tpu.memory_space<vmem>> -> memref<128xi32, #tpu.memory_space<vmem>>
      %dma_start3A_375 = arith.constant 0 : i32
      %dma_start3A_376 = arith.constant 0 : i32
      %dma_start3A_377 = tpu.memref_slice %arg3[%dma_start3A_375, %dma_start3A_376] : memref<100000x128xf32, #tpu.memory_space<hbm>> -> memref<100000x128xf32, #tpu.memory_space<hbm>>
      tpu.enqueue_indirect_dma source(%dma_start3A_377 : memref<100000x128xf32, #tpu.memory_space<hbm>>) target(%dma_start3A_371 : memref<128x128xf32, #tpu.memory_space<vmem>>) offsets(%dma_start3A_374 : memref<128xi32, #tpu.memory_space<vmem>>) semaphore(%arg8 : memref<!tpu.dma_semaphore, #tpu.memory_space<semaphore_mem>>)
    }
    %scan3A_137 = arith.constant 98 : i32
    %dma_wait3A_138 = arith.constant 198 : i32
    %dma_wait3A_139 = arith.constant 0 : i32
    %dma_wait3A_140 = arith.constant 0 : i32
    %dma_wait3A_141 = arith.constant 0 : i32
    %dma_wait3A_142 = tpu.memref_slice %arg6[%dma_wait3A_139, %dma_wait3A_140, %dma_wait3A_141] : memref<2x128x128xf32, #tpu.memory_space<vmem>> -> memref<1x128x128xf32, #tpu.memory_space<vmem>>
    %dma_wait3A_143 = tpu.memref_squeeze %dma_wait3A_142 : memref<1x128x128xf32, #tpu.memory_space<vmem>> -> memref<128x128xf32, #tpu.memory_space<vmem>>
    %dma_wait3A_144 = arith.constant 0 : i32
    %dma_wait3A_145 = tpu.memref_slice %arg5[%dma_wait3A_138, %dma_wait3A_144] : memref<200x128xi32, #tpu.memory_space<vmem>> -> memref<1x128xi32, #tpu.memory_space<vmem>>
    %dma_wait3A_146 = tpu.memref_squeeze %dma_wait3A_145 : memref<1x128xi32, #tpu.memory_space<vmem>> -> memref<128xi32, #tpu.memory_space<vmem>>
    %dma_wait3A_147 = arith.constant 0 : i32
    %dma_wait3A_148 = arith.constant 0 : i32
    %dma_wait3A_149 = tpu.memref_slice %arg3[%dma_wait3A_147, %dma_wait3A_148] : memref<100000x128xf32, #tpu.memory_space<hbm>> -> memref<100000x128xf32, #tpu.memory_space<hbm>>
    tpu.wait_indirect_dma semaphore(%arg7 : memref<!tpu.dma_semaphore, #tpu.memory_space<semaphore_mem>>) src(%dma_wait3A_149 : memref<100000x128xf32, #tpu.memory_space<hbm>>) dst(%dma_wait3A_143 : memref<128x128xf32, #tpu.memory_space<vmem>>)
    %add3A_150 = arith.constant 25344 : i32
    %add3A_151 = arith.addi %mul3A_2, %add3A_150 : i32
    %dma_start3A_152 = arith.constant 0 : i32
    %dma_start3A_153 = arith.constant 0 : i32
    %dma_start3A_154 = arith.constant 0 : i32
    %dma_start3A_155 = tpu.memref_slice %arg6[%dma_start3A_152, %dma_start3A_153, %dma_start3A_154] : memref<2x128x128xf32, #tpu.memory_space<vmem>> -> memref<1x128x128xf32, #tpu.memory_space<vmem>>
    %dma_start3A_156 = tpu.memref_squeeze %dma_start3A_155 : memref<1x128x128xf32, #tpu.memory_space<vmem>> -> memref<128x128xf32, #tpu.memory_space<vmem>>
    %dma_start3A_157 = arith.constant 0 : i32
    %dma_start3A_158 = tpu.memref_slice %arg4[%add3A_151, %dma_start3A_157] : memref<819200x128xf32, #tpu.memory_space<hbm>> -> memref<128x128xf32, #tpu.memory_space<hbm>>
    %dma_start3A_159 = arith.constant 0 : i32
    %dma_start3A_160 = tpu.memref_slice %arg4[%add3A_151, %dma_start3A_159] : memref<819200x128xf32, #tpu.memory_space<hbm>> -> memref<128x128xf32, #tpu.memory_space<hbm>>
    %dma_start3A_161 = arith.constant 0 : i32
    %dma_start3A_162 = arith.constant 0 : i32
    %dma_start3A_163 = tpu.memref_slice %arg6[%dma_start3A_152, %dma_start3A_161, %dma_start3A_162] : memref<2x128x128xf32, #tpu.memory_space<vmem>> -> memref<1x128x128xf32, #tpu.memory_space<vmem>>
    %dma_start3A_164 = tpu.memref_squeeze %dma_start3A_163 : memref<1x128x128xf32, #tpu.memory_space<vmem>> -> memref<128x128xf32, #tpu.memory_space<vmem>>
    tpu.enqueue_dma source(%dma_start3A_164 : memref<128x128xf32, #tpu.memory_space<vmem>>) target(%dma_start3A_160 : memref<128x128xf32, #tpu.memory_space<hbm>>) target_semaphore(%arg9 : memref<!tpu.dma_semaphore, #tpu.memory_space<semaphore_mem>>)
    %dma_wait3A_165 = arith.constant 199 : i32
    %dma_wait3A_166 = arith.constant 1 : i32
    %dma_wait3A_167 = arith.constant 0 : i32
    %dma_wait3A_168 = arith.constant 0 : i32
    %dma_wait3A_169 = tpu.memref_slice %arg6[%dma_wait3A_166, %dma_wait3A_167, %dma_wait3A_168] : memref<2x128x128xf32, #tpu.memory_space<vmem>> -> memref<1x128x128xf32, #tpu.memory_space<vmem>>
    %dma_wait3A_170 = tpu.memref_squeeze %dma_wait3A_169 : memref<1x128x128xf32, #tpu.memory_space<vmem>> -> memref<128x128xf32, #tpu.memory_space<vmem>>
    %dma_wait3A_171 = arith.constant 0 : i32
    %dma_wait3A_172 = tpu.memref_slice %arg5[%dma_wait3A_165, %dma_wait3A_171] : memref<200x128xi32, #tpu.memory_space<vmem>> -> memref<1x128xi32, #tpu.memory_space<vmem>>
    %dma_wait3A_173 = tpu.memref_squeeze %dma_wait3A_172 : memref<1x128xi32, #tpu.memory_space<vmem>> -> memref<128xi32, #tpu.memory_space<vmem>>
    %dma_wait3A_174 = arith.constant 0 : i32
    %dma_wait3A_175 = arith.constant 0 : i32
    %dma_wait3A_176 = tpu.memref_slice %arg3[%dma_wait3A_174, %dma_wait3A_175] : memref<100000x128xf32, #tpu.memory_space<hbm>> -> memref<100000x128xf32, #tpu.memory_space<hbm>>
    tpu.wait_indirect_dma semaphore(%arg8 : memref<!tpu.dma_semaphore, #tpu.memory_space<semaphore_mem>>) src(%dma_wait3A_176 : memref<100000x128xf32, #tpu.memory_space<hbm>>) dst(%dma_wait3A_170 : memref<128x128xf32, #tpu.memory_space<vmem>>)
    %add3A_177 = arith.constant 25472 : i32
    %add3A_178 = arith.addi %mul3A_2, %add3A_177 : i32
    %dma_start3A_179 = arith.constant 1 : i32
    %dma_start3A_180 = arith.constant 0 : i32
    %dma_start3A_181 = arith.constant 0 : i32
    %dma_start3A_182 = tpu.memref_slice %arg6[%dma_start3A_179, %dma_start3A_180, %dma_start3A_181] : memref<2x128x128xf32, #tpu.memory_space<vmem>> -> memref<1x128x128xf32, #tpu.memory_space<vmem>>
    %dma_start3A_183 = tpu.memref_squeeze %dma_start3A_182 : memref<1x128x128xf32, #tpu.memory_space<vmem>> -> memref<128x128xf32, #tpu.memory_space<vmem>>
    %dma_start3A_184 = arith.constant 0 : i32
    %dma_start3A_185 = tpu.memref_slice %arg4[%add3A_178, %dma_start3A_184] : memref<819200x128xf32, #tpu.memory_space<hbm>> -> memref<128x128xf32, #tpu.memory_space<hbm>>
    %dma_start3A_186 = arith.constant 0 : i32
    %dma_start3A_187 = tpu.memref_slice %arg4[%add3A_178, %dma_start3A_186] : memref<819200x128xf32, #tpu.memory_space<hbm>> -> memref<128x128xf32, #tpu.memory_space<hbm>>
    %dma_start3A_188 = arith.constant 0 : i32
    %dma_start3A_189 = arith.constant 0 : i32
    %dma_start3A_190 = tpu.memref_slice %arg6[%dma_start3A_179, %dma_start3A_188, %dma_start3A_189] : memref<2x128x128xf32, #tpu.memory_space<vmem>> -> memref<1x128x128xf32, #tpu.memory_space<vmem>>
    %dma_start3A_191 = tpu.memref_squeeze %dma_start3A_190 : memref<1x128x128xf32, #tpu.memory_space<vmem>> -> memref<128x128xf32, #tpu.memory_space<vmem>>
    tpu.enqueue_dma source(%dma_start3A_191 : memref<128x128xf32, #tpu.memory_space<vmem>>) target(%dma_start3A_187 : memref<128x128xf32, #tpu.memory_space<hbm>>) target_semaphore(%arg10 : memref<!tpu.dma_semaphore, #tpu.memory_space<semaphore_mem>>)
    %add3A_192 = arith.constant 25344 : i32
    %add3A_193 = arith.addi %mul3A_2, %add3A_192 : i32
    %dma_wait3A_194 = arith.constant 0 : i32
    %dma_wait3A_195 = arith.constant 0 : i32
    %dma_wait3A_196 = arith.constant 0 : i32
    %dma_wait3A_197 = tpu.memref_slice %arg6[%dma_wait3A_194, %dma_wait3A_195, %dma_wait3A_196] : memref<2x128x128xf32, #tpu.memory_space<vmem>> -> memref<1x128x128xf32, #tpu.memory_space<vmem>>
    %dma_wait3A_198 = tpu.memref_squeeze %dma_wait3A_197 : memref<1x128x128xf32, #tpu.memory_space<vmem>> -> memref<128x128xf32, #tpu.memory_space<vmem>>
    %dma_wait3A_199 = arith.constant 0 : i32
    %dma_wait3A_200 = tpu.memref_slice %arg4[%add3A_193, %dma_wait3A_199] : memref<819200x128xf32, #tpu.memory_space<hbm>> -> memref<128x128xf32, #tpu.memory_space<hbm>>
    %dma_wait3A_201 = arith.constant 0 : i32
    %dma_wait3A_202 = tpu.memref_slice %arg4[%add3A_193, %dma_wait3A_201] : memref<819200x128xf32, #tpu.memory_space<hbm>> -> memref<128x128xf32, #tpu.memory_space<hbm>>
    %dma_wait3A_203 = arith.constant 0 : i32
    %dma_wait3A_204 = arith.constant 0 : i32
    %dma_wait3A_205 = tpu.memref_slice %arg6[%dma_wait3A_194, %dma_wait3A_203, %dma_wait3A_204] : memref<2x128x128xf32, #tpu.memory_space<vmem>> -> memref<1x128x128xf32, #tpu.memory_space<vmem>>
    %dma_wait3A_206 = tpu.memref_squeeze %dma_wait3A_205 : memref<1x128x128xf32, #tpu.memory_space<vmem>> -> memref<128x128xf32, #tpu.memory_space<vmem>>
    tpu.wait_dma2 semaphore(%arg9 : memref<!tpu.dma_semaphore, #tpu.memory_space<semaphore_mem>>) src(%dma_wait3A_206 : memref<128x128xf32, #tpu.memory_space<vmem>>) dst(%dma_wait3A_202 : memref<128x128xf32, #tpu.memory_space<hbm>>)
    %add3A_207 = arith.constant 25472 : i32
    %add3A_208 = arith.addi %mul3A_2, %add3A_207 : i32
    %dma_wait3A_209 = arith.constant 1 : i32
    %dma_wait3A_210 = arith.constant 0 : i32
    %dma_wait3A_211 = arith.constant 0 : i32
    %dma_wait3A_212 = tpu.memref_slice %arg6[%dma_wait3A_209, %dma_wait3A_210, %dma_wait3A_211] : memref<2x128x128xf32, #tpu.memory_space<vmem>> -> memref<1x128x128xf32, #tpu.memory_space<vmem>>
    %dma_wait3A_213 = tpu.memref_squeeze %dma_wait3A_212 : memref<1x128x128xf32, #tpu.memory_space<vmem>> -> memref<128x128xf32, #tpu.memory_space<vmem>>
    %dma_wait3A_214 = arith.constant 0 : i32
    %dma_wait3A_215 = tpu.memref_slice %arg4[%add3A_208, %dma_wait3A_214] : memref<819200x128xf32, #tpu.memory_space<hbm>> -> memref<128x128xf32, #tpu.memory_space<hbm>>
    %dma_wait3A_216 = arith.constant 0 : i32
    %dma_wait3A_217 = tpu.memref_slice %arg4[%add3A_208, %dma_wait3A_216] : memref<819200x128xf32, #tpu.memory_space<hbm>> -> memref<128x128xf32, #tpu.memory_space<hbm>>
    %dma_wait3A_218 = arith.constant 0 : i32
    %dma_wait3A_219 = arith.constant 0 : i32
    %dma_wait3A_220 = tpu.memref_slice %arg6[%dma_wait3A_209, %dma_wait3A_218, %dma_wait3A_219] : memref<2x128x128xf32, #tpu.memory_space<vmem>> -> memref<1x128x128xf32, #tpu.memory_space<vmem>>
    %dma_wait3A_221 = tpu.memref_squeeze %dma_wait3A_220 : memref<1x128x128xf32, #tpu.memory_space<vmem>> -> memref<128x128xf32, #tpu.memory_space<vmem>>
    tpu.wait_dma2 semaphore(%arg10 : memref<!tpu.dma_semaphore, #tpu.memory_space<semaphore_mem>>) src(%dma_wait3A_221 : memref<128x128xf32, #tpu.memory_space<vmem>>) dst(%dma_wait3A_217 : memref<128x128xf32, #tpu.memory_space<hbm>>)
    return
  }
}

</mosaic_0001>

<sc_bundles>
// kernel: kernel.3.cloned.1.call-start
scs
__scs_entry_jumppad:
0x0: {  	(pc) =	sbr.rel $0x88, $3  }
0x1: {  	(tag) =	ssettag $0x0;
	lr =	simm.s32 $0x1  }
0x2: {  	[smem:$0x3F9F] =	sst lr;
	_ =	strace $0xD0000000  }
0x3: {  	_ = 	snop  }
0x4: {  	_ = 	snop  }
0x5: {  	_ = 	snop  }
0x6: {  	_ = 	snop  }
0x7: {  	_ = 	snop  }
__scs_overlays_trampoline_lowered:
0x8: {  	[smem:$0x3FAE] =	sst s0  }
0x9: {  	[smem:$0x3FAF] =	sst s1  }
0xa: {  	[smem:$0x3FB0] =	sst s2  }
0xb: {  	[smem:$0x3FB1] =	sst s3  }
0xc: {  	[smem:$0x3FB2] =	sst s4  }
0xd: {  	[smem:$0x3FB3] =	sst s5  }
0xe: {  	[smem:$0x3FB4] =	sst s6  }
0xf: {  	[smem:$0x3FB5] =	sst s7  }
0x10: {  	[smem:$0x3FB6] =	sst s8  }
0x11: {  	[smem:$0x3FB7] =	sst s9;
	s0 =	simm.s32 @!p0 $0x0  }
0x12: {  	s1 =	sld [smem:$0x3F9D];
	s0 =	simm.s32 @p0 $0x1  }
0x13: {  	[smem:$0x3FB8] =	sst s0;
	s0 =	simm.s32 @!p1 $0x0  }
0x14: {  	s2 =	sld [smem:$0x3F9C];
	s0 =	simm.s32 @p1 $0x1  }
0x15: {  	[smem:$0x3FB9] =	sst s0;
	s0 =	simm.s32 @!p2 $0x0  }
0x16: {  	s3 =	sld [smem:$0x3FDB];
	s0 =	simm.s32 @p2 $0x1  }
0x17: {  	s4 =	simm.s32 $0x1BF5;
	[smem:$0x3FBB] =	sst s0  }
0x18: {  	s0 =	sld [smem:$0x3F9E];
	_ =	swait.ge [sflag:s4], $0x0  }
0x19: {  	s7 =	sld [smem:$0x3F9F]  }
0x1a: {  	s8 =	sadd.s32 $0xFFFFE003, lr  }
0x1b: {  	s9 =	sadd.s32 $0xFFFFFEF7, lr;
	s5 =	simm.s32 $0xFFFFFFFF;
	p2 =	slt.u32 s8, $0xFFFFF086  }
0x1c: {  	p1 =	slt.u32 s9, $0xF7A;
	s5 =	simm.s32 @!p2 $0x0  }
0x1d: {  	s5 =	simm.s32 @p1 $0x1;
	p0 =	seq.s32 s7, s2  }
0x1e: {  	s7 =	smul.u32 @!p0 $0xF7A, s2;
	p2 =	seq.s32 @!p0 s5, $0x0  }
0x1f: {  	s9 =	smul.u32 $0xF7A, s1;
	s8 =	simm.s32 @!p0 $0x1BF5;
	p2 =	por !p2, p0  }
0x20: {  	[sflag:s8] =	ssyncset.s32 @!p0 $0xFFFFF086;
	s6 =	sadd.s32 @!p0 s3, s7;
	s7 =	simm.s32 @!p0 $0x108  }
0x21: {  	s3 =	sadd.s32 s3, s9;
	s6 =	sadd.s32 @!p0 $0x88, s6;
	s7 =	simm.s32 @p2 $0x1082  }
0x22: {  	[simem:s7], [sflag:s8] =	dma.local @!p0 [hbm:s6], $0xF7A  }
0x23: {  	s9 =	sor.u32 $0xD0000000, s2;
	s6 =	simm.s32 $0x108;
	_ =	swait.ge @!p0 [sflag:s8], $0x0  }
0x24: {  	s3 =	sadd.s32 $0x88, s3;
	s6 =	simm.s32 @!p1 $0x1082;
	[sflag:s4] =	ssyncset.s32 $0xFFFFF086  }
0x25: {  	[simem:s6], [sflag:s4] =	dma.local [hbm:s3], $0xF7A  }
0x26: {  	[smem:$0x3F9F] =	sst s1;
	(tag) =	ssettag s2;
	_ =	strace s9  }
0x27: {  	s1 =	sld [smem:$0x3FAF]  }
0x28: {  	s2 =	sld [smem:$0x3FB0]  }
0x29: {  	s4 =	sld [smem:$0x3FB2]  }
0x2a: {  	p0 =	seq.s32 s5, $0x0;
	s5 =	sld [smem:$0x3FB3]  }
0x2b: {  	s6 =	sld [smem:$0x3FB4]  }
0x2c: {  	s7 =	sld [smem:$0x3FB5]  }
0x2d: {  	s3 =	simm.s32 $0x108;
	s8 =	sld [smem:$0x3FB6]  }
0x2e: {  	s3 =	simm.s32 @!p0 $0x1082;
	s9 =	sld [smem:$0x3FB7]  }
0x2f: {  	lr =	sadd.s32 s0, s3;
	s0 =	sld [smem:$0x3FAE]  }
0x30: {  	s3 =	sld [smem:$0x3FB1]  }
0x31: {  	[smem:$0x3FBA] =	sst s10  }
0x32: {  	s10 =	sld [smem:$0x3FB8];
	_ =	sdelay $0x3  }
0x33: {  	p0 =	seq.s32 s10, $0x1;
	s10 =	sld [smem:$0x3FBA];
	_ =	sdelay $0x3  }
0x34: {  	[smem:$0x3FBA] =	sst s10  }
0x35: {  	s10 =	sld [smem:$0x3FB9];
	_ =	sdelay $0x3  }
0x36: {  	p1 =	seq.s32 s10, $0x1;
	s10 =	sld [smem:$0x3FBA];
	_ =	sdelay $0x3  }
0x37: {  	[smem:$0x3FBA] =	sst s10  }
0x38: {  	s10 =	sld [smem:$0x3FBB]  }
0x39: {  	_ = 	snop;
	(pc) =	sbr.ind lr, $3  }
0x3a: {  	_ = 	snop  }
0x3b: {  	_ = 	snop  }
0x3c: {  	p2 =	seq.s32 s10, $0x1;
	s10 =	sld [smem:$0x3FBA]  }
0x3d: {  	_ =	shalt  }
0x3e: {  	_ =	shalt  }
0x3f: {  	_ =	shalt  }
0x40: {  	_ =	shalt  }
0x41: {  	_ =	shalt  }
0x42: {  	_ =	shalt  }
0x43: {  	_ =	shalt  }
0x44: {  	_ =	shalt  }
0x45: {  	_ =	shalt  }
0x46: {  	_ =	shalt  }
0x47: {  	_ =	shalt  }
0x48: {  	_ =	shalt  }
0x49: {  	_ =	shalt  }
0x4a: {  	_ =	shalt  }
0x4b: {  	_ =	shalt  }
0x4c: {  	_ =	shalt  }
0x4d: {  	_ =	shalt  }
0x4e: {  	_ =	shalt  }
0x4f: {  	_ =	shalt  }
0x50: {  	_ =	shalt  }
0x51: {  	_ =	shalt  }
0x52: {  	_ =	shalt  }
0x53: {  	_ =	shalt  }
0x54: {  	_ =	shalt  }
0x55: {  	_ =	shalt  }
0x56: {  	_ =	shalt  }
0x57: {  	_ =	shalt  }
0x58: {  	_ =	shalt  }
0x59: {  	_ =	shalt  }
0x5a: {  	_ =	shalt  }
0x5b: {  	_ =	shalt  }
0x5c: {  	_ =	shalt  }
0x5d: {  	_ =	shalt  }
0x5e: {  	_ =	shalt  }
0x5f: {  	_ =	shalt  }
0x60: {  	_ =	shalt  }
0x61: {  	_ =	shalt  }
0x62: {  	_ =	shalt  }
0x63: {  	_ =	shalt  }
0x64: {  	_ =	shalt  }
0x65: {  	_ =	shalt  }
0x66: {  	_ =	shalt  }
0x67: {  	_ =	shalt  }
0x68: {  	_ =	shalt  }
0x69: {  	_ =	shalt  }
0x6a: {  	_ =	shalt  }
0x6b: {  	_ =	shalt  }
0x6c: {  	_ =	shalt  }
0x6d: {  	_ =	shalt  }
0x6e: {  	_ =	shalt  }
0x6f: {  	_ =	shalt  }
0x70: {  	_ =	shalt  }
0x71: {  	_ =	shalt  }
0x72: {  	_ =	shalt  }
0x73: {  	_ =	shalt  }
0x74: {  	_ =	shalt  }
0x75: {  	_ =	shalt  }
0x76: {  	_ =	shalt  }
0x77: {  	_ =	shalt  }
0x78: {  	_ =	shalt  }
0x79: {  	_ =	shalt  }
0x7a: {  	_ =	shalt  }
0x7b: {  	_ =	shalt  }
0x7c: {  	_ =	shalt  }
0x7d: {  	_ =	shalt  }
0x7e: {  	_ =	shalt  }
0x7f: {  	_ =	shalt  }
0x80: {  	_ =	shalt  }
0x81: {  	_ =	shalt  }
0x82: {  	_ =	shalt  }
0x83: {  	_ =	shalt  }
0x84: {  	_ =	shalt  }
0x85: {  	_ =	shalt  }
0x86: {  	_ =	shalt  }
0x87: {  	_ =	shalt  }
.Lfunc_end0:
.L_simem_size_0:
called_computation_lowered:
.L_overlay_start_0:
0x88: {  	s2 =	sld [smem:$0x3FD9]  }
0x89: {  	s3 =	sld [smem:$0x3FFE];
	_ =	sdelay $0x1  }
0x8a: {  	s1 =	srdreg.scid  }
0x8b: {  	s0 =	sand.u32 $0x1, s1  }
0x8c: {  	s17 =	sshll.u32 s0, $0xA;
	s2 =	sadd.s32 s3, s2  }
0x8d: {  	s2 =	sadd.s32 s2, s17  }
0x8e: {  	[smem:$0x3FC6] =	sst s2  }
0x8f: {  	_ = 	snop  }
0x90: {  	s2 =	sld [smem:$0x3FC8]  }
0x91: {  	s18 =	sld [smem:$0x3FD0];
	(tm) =	ssettm $0x1  }
0x92: {  	s4 =	sld [smem:$0x3FFB];
	_ =	sdelay $0x3  }
0x93: {  	_ =	strace s4  }
0x94: {  	s4 =	sld [smem:$0x3FFC];
	_ =	sdelay $0x3  }
0x95: {  	_ =	strace s4  }
0x96: {  	s4 =	sld [smem:$0x3FFD];
	_ =	sdelay $0x3  }
0x97: {  	_ =	strace s4  }
0x98: {  	_ =	strace $0x8FFFFFFF  }
0x99: {  	s19 =	sld [smem:$0x3FDB];
	_ =	sdelay $0x1  }
0x9a: {  	s5 =	simm.s32 $_scs_section_size  }
0x9b: {  	s6 =	simm.s32 $_size__tile_overlayer_lowered;
	s7 =	simm.s32 $_tile_overlayer_lowered  }
0x9c: {  	s22 =	simm.s32 $0x1BFF;
	s21 =	sshll.u32 s7, $0x1;
	s4 =	sadd.s32 s5, s19  }
0x9d: {  	s8 =	simm.s32 $0x0;
	s20 =	sshll.u32 s6, $0x1;
	s6 =	sadd.s32 s21, s4  }
0x9e: {  	[timem:s8], [sflag:s22] =	dma.local [hbm:s6], s20  }
0x9f: {  	_ =	swait.ge [sflag:s22], s20  }
0xa0: {  	s5 =	ssub.s32 $0x0, s20;
	[sflag:s22] =	ssyncset.done $0x0  }
0xa1: {  	[sflag:s22] =	ssyncadd.s32 s5;
	_ =	sdelay $0x1  }
0xa2: {  	s23 =	simm.s32 $0x1B8B  }
0xa3: {  	_ =	swait.ge [sflag:s23], $0x1  }
0xa4: {  	[sflag:s23] =	ssyncset.done $0x0  }
0xa5: {  	s25 =	simm.s32 $0x1B8E;
	s24 =	sld [smem:$0x3FFE];
	[sflag:s23] =	ssyncadd.s32 $0xFFFFFFFF  }
0xa6: {  	s26 =	simm.s32 $execute0_lowered;
	[smem:$0x3FD2] =	sst s25  }
0xa7: {  	s6 =	sshll.u32 s26, $0x1;
	_ =	strace $0x80000046;
	[dreg:$0x1] =	wrdreg $0xFFFFFFFF  }
0xa8: {  	s28 =	simm.s32 $_size_execute0_lowered;
	s4 =	sadd.s32 s4, s6;
	[dreg:$0x0] =	wrdreg $0x0  }
0xa9: {  	s6 =	sshll.u32 s28, $0x1;
	[dreg:$0x2] =	wrdreg s4  }
0xaa: {  	[dreg:$0x3] =	wrdreg s6  }
0xab: {  	[dreg:$0x4] =	wrdreg $0xC0  }
0xac: {  	_ =	task [dreg:s8], $0x5FFFF  }
0xad: {  	[dreg:$0x1] =	wrdreg $0xFFFFFFFF  }
0xae: {  	[dreg:$0x0] =	wrdreg $0x60  }
0xaf: {  	[dreg:$0x2] =	wrdreg s24  }
0xb0: {  	[dreg:$0x3] =	wrdreg s2  }
0xb1: {  	[dreg:$0x4] =	wrdreg s18  }
0xb2: {  	[dreg:$0x5] =	wrdreg $0x9  }
0xb3: {  	_ =	task.clear_ibuf [dreg:s8], $0x6FFFF;
	_ =	strace $0x90000046  }
0xb4: {  	s29 =	simm.s32 $0x9;
	_ =	strace $0x80000048  }
0xb5: {  	_ =	swait.ge [sflag:s29], $0x1  }
0xb6: {  	[sflag:s29] =	ssyncadd.s32 $0xFFFFFFFF  }
0xb7: {  	_ =	strace $0x90000048  }
0xb8: {  	_ =	sfence  }
0xb9: {  	s30 =	sld [smem:$0x0];
	_ =	sdelay $0x2  }
0xba: {  	s31 =	sshll.u32 s1, $0xD;
	s1 =	sshrl.u32 s1, $0x2  }
0xbb: {  	s3 =	sand.u32 $0x4000, s31;
	s1 =	sadd.s32 s1, s30  }
0xbc: {  	s0 =	sor.u32 s3, s0;
	s1 =	sshll.u32 s1, $0x11  }
0xbd: {  	s0 =	sor.u32 s1, s0  }
0xbe: {  	s0 =	sadd.s32 $0x8F2B, s0  }
0xbf: {  	[sflag:s0] =	ssyncadd.remote.s32 $0x1  }
0xc0: {  	_ =	sfence.sel $0xFFFF  }
0xc1: {  	[dreg:$0x0] =	wrdreg $0xFFFFFFFF;
	(pc) =	sbr.abs _section_cstart, $3  }
0xc2: {  	[dreg:$0x1] =	wrdreg $0xFFFFFFFF  }
0xc3: {  	_ =	task.clear_ibuf [dreg:s8], $0x2FFFF;
	_ =	strace $0x9FFFFFFF  }
0xc4: {  	(tm) =	ssettm $0x7FFFFFFF  }
0xc5: {  	_ =	shalt  }
tec
execute0_lowered:
.L_overlay_start_1:
0x0: {  	(tag) =	ssettag $0x1  }
0x1: {  	s4 =	rddreg [dreg:$0x0]  }
0x2: {  	s2 =	rddreg [dreg:$0x1];
	s1 =	srdreg.scid  }
0x3: {  	s0 =	stileid.u32;
	s8 =	rddreg [dreg:$0x2]  }
0x4: {  	s3 =	simm.s32 $0x0;
	s13 =	simm.s32 $0x6400;
	s14 =	simm.s32 $0xA400  }
0x5: {  	s15 =	simm.s32 $0x1;
	s16 =	simm.s32 $0x3;
	s17 =	simm.s32 $0x100  }
0x6: {  	s18 =	simm.s32 $0x2;
	s19 =	simm.s32 $0x4;
	s20 =	simm.s32 $0x180  }
0x7: {  	s6 =	sand.u32 $0x1, s1;
	s5 =	sshll.u32 s0, $0x1;
	s31 =	smul.u32 $0xC8000, s0  }
0x8: {  	s21 =	simm.s32 $0x0;
	s5 =	sor.u32 s6, s5;
	s12 =	smul.u32 $0x64000, s6  }
0x9: {  	s1 =	rddreg [dreg:$0x3];
	s9 =	ssub.s32 $0x2, s6;
	s7 =	smul.u32 $0x6400, s5  }
0xa: {  	[smem:$0x7FF] =	sst s3;
	s10 =	sshrl.u32 s9, $0x1;
	s11 =	smul.u32 $0x320000, s5  }
0xb: {  	_ =	strace $0x80000047;
	s5 =	smul.u32 $0x64000, s5;
	s9 =	ssub.s32 s9, s10  }
0xc: {  	s10 =	sadd.s32 s31, s8;
	s7 =	sshrl.u32 s7, $0x3;
	s30 =	sshrl.u32 s11, $0x3  }
0xd: {  	s5 =	sadd.s32 s8, s5;
	s9 =	smax.u32 s9, $0x1;
	s10 =	sadd.s32 s12, s10  }
0xe: {  	s12 =	simm.s32 $0x80;
	s4 =	sadd.s32 s7, s4;
	s11 =	sadd.s32 s8, s30  }
0xf: {  	s6 =	sadd.s32 $0x800, s5;
	s10 =	sadd.s32 $0x1800, s10;
	s4 =	sadd.s32 $0x400, s4  }
0x10: {  	s7 =	sadd.s32 $0x63000, s11;
	s8 =	sadd.s32 $0x63800, s11;
	s11 =	simm.s32 $0x5  }
.LBB2_1:
0x11: {  	[tilespmem:s3], [sflag:$0x5] =	stream.linear.gather [hbm4b:s4+s3], $0x6400, $0x38;
	[tilespmem:$0xE400] =	vst v63  }
0x12: {  	_ =	swait.ge [sflag:s11], $0x6400  }
0x13: {  	[sflag:s11] =	ssyncset.done $0x0  }
0x14: {  	[sflag:s11] =	ssyncadd.s32 $0xFFFF9C00  }
0x15: {  	[tilespmem:s13], [sflag:$0x1] =	stream.indirect.gather [hbm4b:s2+s12], $0x80, s3, s12, $0xb8;
	[tilespmem:$0xE400] =	vst v63  }
0x16: {  	_ = 	snop  }
0x17: {  	[tilespmem:s14], [sflag:$0x2] =	stream.indirect.gather [hbm4b:s2+s12], $0x80, s12, s12, $0xb8;
	[tilespmem:$0xE400] =	vst v63  }
0x18: {  	_ =	swait.ge [sflag:s15], $0x4000  }
0x19: {  	[sflag:s15] =	ssyncset.done $0x0  }
0x1a: {  	[sflag:s15] =	ssyncadd.s32 $0xFFFFC000  }
0x1b: {  	[hbm4b:s5+s3] =	stream.linear.scatter [tilespmem:s13], [sflag:$0x3], $0x4000, $0x38;
	[tilespmem:$0xE400] =	vst v63  }
0x1c: {  	_ =	swait.ge [sflag:s16], $0x4000  }
0x1d: {  	[sflag:s16] =	ssyncset.done $0x0  }
0x1e: {  	[sflag:s16] =	ssyncadd.s32 $0xFFFFC000  }
0x1f: {  	[tilespmem:s13], [sflag:$0x1] =	stream.indirect.gather [hbm4b:s2+s12], $0x80, s17, s12, $0xb8;
	[tilespmem:$0xE400] =	vst v63  }
0x20: {  	_ =	swait.ge [sflag:s18], $0x4000  }
0x21: {  	[sflag:s18] =	ssyncset.done $0x0  }
0x22: {  	[sflag:s18] =	ssyncadd.s32 $0xFFFFC000  }
0x23: {  	[hbm4b:s6+s3] =	stream.linear.scatter [tilespmem:s14], [sflag:$0x4], $0x4000, $0x38;
	[tilespmem:$0xE400] =	vst v63  }
0x24: {  	_ =	swait.ge [sflag:s19], $0x4000  }
0x25: {  	[sflag:s19] =	ssyncset.done $0x0  }
0x26: {  	[sflag:s19] =	ssyncadd.s32 $0xFFFFC000  }
0x27: {  	[tilespmem:s14], [sflag:$0x2] =	stream.indirect.gather [hbm4b:s2+s12], $0x80, s20, s12, $0xb8;
	[tilespmem:$0xE400] =	vst v63  }
0x28: {  	_ =	swait.ge [sflag:s15], $0x4000  }
0x29: {  	[sflag:s15] =	ssyncset.done $0x0  }
0x2a: {  	s22 =	sadd.s32 $0xFFFFF800, s10;
	[sflag:s15] =	ssyncadd.s32 $0xFFFFC000  }
0x2b: {  	[hbm4b:s22+s3] =	stream.linear.scatter [tilespmem:s13], [sflag:$0x3], $0x4000, $0x38;
	[tilespmem:$0xE400] =	vst v63  }
0x2c: {  	_ =	swait.ge [sflag:s16], $0x4000  }
0x2d: {  	[sflag:s16] =	ssyncset.done $0x0  }
0x2e: {  	s31 =	simm.s32 $0x200;
	[sflag:s16] =	ssyncadd.s32 $0xFFFFC000  }
0x2f: {  	[tilespmem:s13], [sflag:$0x1] =	stream.indirect.gather [hbm4b:s2+s12], $0x80, s31, s12, $0xb8;
	[tilespmem:$0xE400] =	vst v63  }
0x30: {  	_ =	swait.ge [sflag:s18], $0x4000  }
0x31: {  	[sflag:s18] =	ssyncset.done $0x0  }
0x32: {  	[sflag:s18] =	ssyncadd.s32 $0xFFFFC000  }
0x33: {  	[hbm4b:s10+s3] =	stream.linear.scatter [tilespmem:s14], [sflag:$0x4], $0x4000, $0x38;
	[tilespmem:$0xE400] =	vst v63  }
0x34: {  	_ =	swait.ge [sflag:s19], $0x4000  }
0x35: {  	s24 =	simm.s32 $0x280;
	[sflag:s19] =	ssyncset.done $0x0  }
0x36: {  	s23 =	sadd.s32 $0x1000, s10;
	s22 =	simm.s32 $0x400;
	[sflag:s19] =	ssyncadd.s32 $0xFFFFC000  }
.LBB2_2:
0x37: {  	[tilespmem:s14], [sflag:$0x2] =	stream.indirect.gather [hbm4b:s2+s12], $0x80, s24, s12, $0xb8;
	[tilespmem:$0xE400] =	vst v63  }
0x38: {  	s24 =	smov.u32 s22  }
0x39: {  	p0 =	sne.s32 s22, $0x18400;
	s22 =	sadd.s32 $0x400, s22;
	_ =	swait.ge [sflag:s15], $0x4000  }
0x3a: {  	[sflag:s15] =	ssyncset.done $0x0  }
0x3b: {  	s25 =	sadd.s32 $0xFFFFF800, s23;
	[sflag:s15] =	ssyncadd.s32 $0xFFFFC000  }
0x3c: {  	[hbm4b:s25+s3] =	stream.linear.scatter [tilespmem:s13], [sflag:$0x3], $0x4000, $0x38;
	[tilespmem:$0xE400] =	vst v63  }
0x3d: {  	_ =	swait.ge [sflag:s16], $0x4000  }
0x3e: {  	s24 =	sshra.s32 s24, $0x2;
	[sflag:s16] =	ssyncset.done $0x0  }
0x3f: {  	s25 =	sadd.s32 $0x200, s24;
	[sflag:s16] =	ssyncadd.s32 $0xFFFFC000  }
0x40: {  	[tilespmem:s13], [sflag:$0x1] =	stream.indirect.gather [hbm4b:s2+s12], $0x80, s25, s12, $0xb8;
	[tilespmem:$0xE400] =	vst v63  }
0x41: {  	_ =	swait.ge [sflag:s18], $0x4000  }
0x42: {  	[sflag:s18] =	ssyncset.done $0x0  }
.Ltmp0:
0x43: {  	[sflag:s18] =	ssyncadd.s32 $0xFFFFC000;
	(pc) =	sbr.rel @p0 .LBB2_2-.Ltmp0, $4  }
0x44: {  	[hbm4b:s23+s3] =	stream.linear.scatter [tilespmem:s14], [sflag:$0x4], $0x4000, $0x38;
	[tilespmem:$0xE400] =	vst v63  }
0x45: {  	_ =	swait.ge [sflag:s19], $0x4000  }
0x46: {  	[sflag:s19] =	ssyncset.done $0x0  }
0x47: {  	s24 =	sadd.s32 $0x280, s24;
	s23 =	sadd.s32 $0x1000, s23;
	[sflag:s19] =	ssyncadd.s32 $0xFFFFC000  }
0x48: {  	[tilespmem:s14], [sflag:$0x2] =	stream.indirect.gather [hbm4b:s2+s12], $0x80, s24, s12, $0xb8;
	[tilespmem:$0xE400] =	vst v63  }
0x49: {  	_ =	swait.ge [sflag:s15], $0x4000  }
0x4a: {  	[sflag:s15] =	ssyncset.done $0x0  }
0x4b: {  	[sflag:s15] =	ssyncadd.s32 $0xFFFFC000  }
0x4c: {  	[hbm4b:s7+s3] =	stream.linear.scatter [tilespmem:s13], [sflag:$0x3], $0x4000, $0x38;
	[tilespmem:$0xE400] =	vst v63  }
0x4d: {  	_ =	swait.ge [sflag:s18], $0x4000  }
0x4e: {  	[sflag:s18] =	ssyncset.done $0x0  }
0x4f: {  	s21 =	sadd.s32 $0x1, s21;
	[sflag:s18] =	ssyncadd.s32 $0xFFFFC000  }
0x50: {  	[hbm4b:s8+s3] =	stream.linear.scatter [tilespmem:s14], [sflag:$0x4], $0x4000, $0x38;
	[tilespmem:$0xE400] =	vst v63  }
0x51: {  	p0 =	sne.s32 s21, s9;
	_ =	swait.ge [sflag:s16], $0x4000  }
.Ltmp1:
0x52: {  	[sflag:s16] =	ssyncset.done $0x0;
	(pc) =	sbr.rel @p0 .LBB2_1-.Ltmp1, $4  }
0x53: {  	[sflag:s16] =	ssyncadd.s32 $0xFFFFC000  }
0x54: {  	_ =	swait.ge [sflag:s19], $0x4000  }
0x55: {  	[sflag:s19] =	ssyncset.done $0x0  }
0x56: {  	[sflag:s19] =	ssyncadd.s32 $0xFFFFC000  }
0x57: {  	_ =	sfence.sel $0x180000  }
0x58: {  	[bflag:$0x0] =	sbarrier.arrive $0xFFFF  }
0x59: {  	p0 =	sne.s32 s0, $0x0;
	_ =	strace $0x90000047  }
0x5a: {  	s0 =	sadd.s32 @!p0 $0x100000, s1;
	[bflag:$0x2] =	sbarrier.arrive $0xFFFF  }
0x5b: {  	[sflag:s0] =	ssyncadd.tile.s32 @!p0 $0x1;
	_ =	shalt  }
.Lfunc_end2:
_tile_overlayer_lowered:
.L_overlay_start_2:
0x5c: {  	(tag) =	ssettag $0x2  }
0x5d: {  	s0 =	rddreg [dreg:$0x0];
	s2 =	stileid.u32  }
0x5e: {  	s1 =	rddreg [dreg:$0x1];
	p0 =	sne.s32 s2, $0x0  }
0x5f: {  	s3 =	rddreg [dreg:$0x2];
	[bflag:$0x3] =	sbarrier.arrive $0xFFFF;
	s2 =	simm.s32 @!p0 $0x1C05  }
0x60: {  	[timem:s3], [sflag:s2] =	dma.local @!p0 [hbm:s0], s1  }
0x61: {  	s0 =	simm.s32 @!p0 $0x5  }
0x62: {  	_ =	swait.ge @!p0 [sflag:s0], s1  }
0x63: {  	s1 =	ssub.s32 @!p0 $0x0, s1;
	[sflag:s0] =	ssyncset.done @!p0 $0x0  }
0x64: {  	[sflag:s0] =	ssyncadd.s32 @!p0 s1  }
0x65: {  	[bflag:$0x3] =	sbarrier.arrive $0xFFFF  }
0x66: {  	_ =	shalt  }

</sc_bundles>
